<compile_context>
chip_gen: v7x
topology: tpu7x:2x2x1
jax: 0.10.2.dev20260603
libtpu: 0.0.44.dev20260713+nightly
codegen_flags: <defaults>
</compile_context>

<pallas_src>
import functools

import jax
import jax.numpy as jnp
import numpy as np
from jax import lax
from jax.experimental import pallas as pl
from jax.experimental.pallas import tpu as pltpu
from jax.experimental.pallas import tpu_sc as plsc

N_NODES = 100000
N_EDGES = 6400000
E0 = np.float32(4.0 * ((1.0 / 3.0) ** 12 - (1.0 / 3.0) ** 6))

NG = 33792
ACCW = NG * 3
NSC = 2
EDGES_PER_SC = N_EDGES // NSC
CHUNK = 3200
NCHUNKS = EDGES_PER_SC // CHUNK
STEPS = CHUNK // 16


def _sc_body(bv_hbm, dst_hbm, p_out, e_out, acc, bvb, dstb, evec):
    c = lax.axis_index("c")
    s = lax.axis_index("s")
    g = jnp.where(s < 6, 0, jnp.where(s < 11, 1, 2))
    slot = s - jnp.where(s < 6, 0, jnp.where(s < 11, 6, 11))
    nslots = jnp.where(s < 6, 6, 5)
    lo = g * NG
    iota = lax.iota(jnp.int32, 16)

    zero16 = jnp.zeros((16,), jnp.float32)

    def zbody(i, carry):
        acc[pl.ds(i * 16, 16)] = zero16
        return carry

    lax.fori_loop(0, ACCW // 16, zbody, 0)

    count = (NCHUNKS - slot + nslots - 1) // nslots

    def chunk_body(j, ecarry):
        ci = slot + j * nslots
        ebase = c * EDGES_PER_SC + ci * CHUNK
        pltpu.sync_copy(bv_hbm.at[pl.ds(ebase * 3, CHUNK * 3)], bvb)
        pltpu.sync_copy(dst_hbm.at[pl.ds(ebase, CHUNK)], dstb)

        def step(i, ecar):
            idx = i * 48 + iota * 3
            x = plsc.load_gather(bvb, [idx])
            y = plsc.load_gather(bvb, [idx + 1])
            z = plsc.load_gather(bvb, [idx + 2])
            d = dstb[pl.ds(i * 16, 16)]
            r2 = x * x + y * y + z * z
            inv = 1.0 / r2
            c6 = inv * inv * inv
            c12 = c6 * c6
            coef = (2.0 * c12 - c6) * inv
            lrow = d - lo
            m = (lrow >= 0) & (lrow < NG)
            a0 = jnp.where(m, lrow * 3, 0)
            plsc.addupdate_scatter(acc, [a0], coef * x, mask=m)
            plsc.addupdate_scatter(acc, [a0 + 1], coef * y, mask=m)
            plsc.addupdate_scatter(acc, [a0 + 2], coef * z, mask=m)
            return ecar + (c12 - c6)

        return lax.fori_loop(0, STEPS, step, ecarry)

    e16 = lax.fori_loop(0, count, chunk_body, jnp.zeros((16,), jnp.float32))
    evec[...] = e16 * 4.0
    pltpu.sync_copy(acc, p_out.at[c, s])
    pltpu.sync_copy(evec, e_out.at[c, s])


def _combine_body(q_ref, e_ref, f12_ref, fm24_ref, pe_ref):
    i = pl.program_id(0)
    q = q_ref[...]
    s0 = jnp.sum(q[0:6], axis=0) + jnp.sum(q[16:22], axis=0)
    s1 = jnp.sum(q[6:11], axis=0) + jnp.sum(q[22:27], axis=0)
    s2 = jnp.sum(q[11:16], axis=0) + jnp.sum(q[27:32], axis=0)
    f = jnp.stack([s0, s1, s2]) * 12.0
    f12_ref[...] = f
    fm24_ref[...] = f * -2.0

    @pl.when(i == 0)
    def _():
        pe = 0.5 * (jnp.sum(e_ref[...]) * (1.0 / 3.0) - E0 * np.float32(N_EDGES))
        pe_ref[...] = jnp.full((1, 1), pe, jnp.float32)


def kernel(bond_vectors, edge_index):
    bv_flat = bond_vectors.reshape(-1)
    dst = edge_index[1]

    mesh = plsc.VectorSubcoreMesh(
        core_axis_name="c", subcore_axis_name="s", num_cores=2, num_subcores=16
    )
    sc_kernel = pl.kernel(
        _sc_body,
        out_type=(
            jax.ShapeDtypeStruct((2, 16, ACCW), jnp.float32),
            jax.ShapeDtypeStruct((2, 16, 16), jnp.float32),
        ),
        mesh=mesh,
        compiler_params=pltpu.CompilerParams(needs_layout_passes=False),
        scratch_types=[
            pltpu.VMEM((ACCW,), jnp.float32),
            pltpu.VMEM((CHUNK * 3,), jnp.float32),
            pltpu.VMEM((CHUNK,), jnp.int32),
            pltpu.VMEM((16,), jnp.float32),
        ],
    )
    p_parts, e_parts = sc_kernel(bv_flat, dst)

    q = p_parts.reshape(32, ACCW)
    e2 = e_parts.reshape(1, 512)
    nblk = ACCW // 512
    f12, fm24, pe = pl.pallas_call(
        _combine_body,
        grid=(nblk,),
        in_specs=[
            pl.BlockSpec((32, 512), lambda i: (0, i)),
            pl.BlockSpec((1, 512), lambda i: (0, 0)),
        ],
        out_specs=[
            pl.BlockSpec((3, 512), lambda i: (0, i)),
            pl.BlockSpec((3, 512), lambda i: (0, i)),
            pl.BlockSpec((1, 1), lambda i: (0, 0)),
        ],
        out_shape=[
            jax.ShapeDtypeStruct((3, ACCW), jnp.float32),
            jax.ShapeDtypeStruct((3, ACCW), jnp.float32),
            jax.ShapeDtypeStruct((1, 1), jnp.float32),
        ],
    )(q, e2)

    forces = f12.reshape(-1)[: N_NODES * 3].reshape(N_NODES, 3)
    analytic = fm24.reshape(-1)[: N_NODES * 3].reshape(N_NODES, 3)
    return (pe[0, 0], forces, analytic)

# --- scband reference (transcript-rebuilt; emitter-appended) ---
"""Pipeline reference for scband-lennard-jones-36206574305302 (READ-ONLY COPY).

The authoritative reference and input builder live on the scoring server;
editing this copy changes nothing except your own understanding.
"""

import jax, jax.numpy as jnp
import numpy as np

EPSILON = 1.0
SIGMA = 1.0
RC = 3.0
N_NODES = 100000
N_EDGES = 6400000


def setup_inputs(seed: int = 0) -> dict:
    key = jax.random.key(seed)
    k1, k2 = jax.random.split(key)
    # bond vectors r_ij for each edge; randn gives |r|^2 ~ 3, safely nonzero
    bond_vectors = jax.random.normal(k1, (N_EDGES, 3), dtype=jnp.float32)
    edge_index = jax.random.randint(k2, (2, N_EDGES), 0, N_NODES, dtype=jnp.int32)
    return {"bond_vectors": bond_vectors, "edge_index": edge_index}


def reference(bond_vectors, edge_index):
    dst = edge_index[1]
    e0 = 4.0 * EPSILON * ((SIGMA / RC) ** 12 - (SIGMA / RC) ** 6)

    def energy_fn(bv):
        r2 = jnp.sum(bv ** 2, axis=1)
        c6 = (SIGMA ** 2 / r2) ** 3
        c12 = c6 ** 2
        pairwise_energies = 4.0 * EPSILON * (c12 - c6)
        pairwise_energies = pairwise_energies - e0 * (c6 != 0.0).astype(pairwise_energies.dtype)
        # g.update_all(copy_e, sum) -> scatter-add pair energies onto destination nodes
        node_energy = jax.ops.segment_sum(0.5 * pairwise_energies, dst, num_segments=N_NODES)
        return node_energy.sum()

    # autograd forces: F = -dE/dr accumulated per node (mirrors autograd_forces)
    potential_energy, grad_bv = jax.value_and_grad(energy_fn)(bond_vectors)
    forces = -jax.ops.segment_sum(grad_bv, dst, num_segments=N_NODES)

    # analytic pairwise forces, scatter-added to destination nodes
    r2 = jnp.sum(bond_vectors ** 2, axis=1)
    c6 = (SIGMA ** 2 / r2) ** 3
    c12 = c6 ** 2
    analytic_pairwise_forces = -24.0 * EPSILON * (2.0 * c12 - c6) / r2
    analytic_force = jax.ops.segment_sum(
        analytic_pairwise_forces[:, None] * bond_vectors, dst, num_segments=N_NODES
    )
    return (potential_energy, forces, analytic_force)

if __name__ == "__main__":
    import jax
    _d = setup_inputs()
    print(jax.jit(kernel)(*tuple(_d.values())))

</pallas_src>

<mosaic_0001>
#map = affine_map<(d0, d1) -> (0)>
#map1 = affine_map<(d0, d1) -> (0, 0, 0)>
module attributes {stable_mosaic.version = 14 : i64} {
  func.func @_sc_body(%arg0: i32, %arg1: i32, %arg2: memref<19200000xf32, #tpu.memory_space<hbm>>, %arg3: memref<6400000xi32, #tpu.memory_space<hbm>>, %arg4: memref<2x16x101376xf32, #tpu.memory_space<hbm>>, %arg5: memref<2x16x16xf32, #tpu.memory_space<hbm>>, %arg6: memref<101376xf32, #tpu.memory_space<vmem>>, %arg7: memref<9600xf32, #tpu.memory_space<vmem>>, %arg8: memref<3200xi32, #tpu.memory_space<vmem>>, %arg9: memref<16xf32, #tpu.memory_space<vmem>>) attributes {dimension_semantics = [#tpu.dimension_semantics<core_parallel>, #tpu.dimension_semantics<subcore_parallel>], iteration_bounds = array<i64: 2, 16>, scalar_prefetch = 0 : i64, scratch_operands = 4 : i64, tpu.core_type = #tpu.core_type<sc_vector_subcore>, window_params = [{transform_indices = #map}, {transform_indices = #map}, {transform_indices = #map1}, {transform_indices = #map1}]} {
    %lt3A = arith.constant 6 : i32
    %lt3A_0 = arith.cmpi slt, %arg1, %lt3A : i32
    %lt3A_1 = arith.constant 11 : i32
    %lt3A_2 = arith.cmpi slt, %arg1, %lt3A_1 : i32
    %jit3A = arith.constant 1 : i32
    %jit3A_3 = arith.constant 2 : i32
    %select_n3A = arith.select %lt3A_2, %jit3A, %jit3A_3 : i32
    %jit3A_4 = arith.constant 0 : i32
    %select_n3A_5 = arith.select %lt3A_0, %jit3A_4, %select_n3A : i32
    %lt3A_6 = arith.constant 6 : i32
    %lt3A_7 = arith.cmpi slt, %arg1, %lt3A_6 : i32
    %lt3A_8 = arith.constant 11 : i32
    %lt3A_9 = arith.cmpi slt, %arg1, %lt3A_8 : i32
    %jit3A_10 = arith.constant 6 : i32
    %jit3A_11 = arith.constant 11 : i32
    %select_n3A_12 = arith.select %lt3A_9, %jit3A_10, %jit3A_11 : i32
    %jit3A_13 = arith.constant 0 : i32
    %select_n3A_14 = arith.select %lt3A_7, %jit3A_13, %select_n3A_12 : i32
    %sub3A = arith.subi %arg1, %select_n3A_14 : i32
    %lt3A_15 = arith.constant 6 : i32
    %lt3A_16 = arith.cmpi slt, %arg1, %lt3A_15 : i32
    %jit3A_17 = arith.constant 6 : i32
    %jit3A_18 = arith.constant 5 : i32
    %select_n3A_19 = arith.select %lt3A_16, %jit3A_17, %jit3A_18 : i32
    %mul3A = arith.constant 33792 : i32
    %mul3A_20 = arith.muli %select_n3A_5, %mul3A : i32
    %iota3A = tpu.iota {dimensions = array<i32: 0>} : vector<16xi32>
    %broadcast_in_dim3A = arith.constant 0.000000e+00 : f32
    %broadcast_in_dim3A_21 = vector.broadcast %broadcast_in_dim3A : f32 to vector<16xf32>
    %scan3A = arith.constant 0 : i32
    %scan3A_22 = arith.constant 0 : i32
    %scan3A_23 = arith.constant 6336 : i32
    %scan3A_24 = arith.addi %scan3A_22, %scan3A_23 : i32
    %scan3A_25 = arith.constant 1 : i32
    scf.for %scan3A_65 = %scan3A_22 to %scan3A_24 step %scan3A_25  : i32 {
      %mul3A_66 = arith.constant 16 : i32
      %mul3A_67 = arith.muli %scan3A_65, %mul3A_66 : i32
      %swap3A_68 = arith.index_cast %mul3A_67 : i32 to index
      %swap3A_69 = tpu.vector_load %arg6[%swap3A_68] {strides = array<i32>} : memref<101376xf32, #tpu.memory_space<vmem>>, vector<16xf32>,
      tpu.vector_store %arg6[%swap3A_68], %broadcast_in_dim3A_21 {strides = array<i32>} : memref<101376xf32, #tpu.memory_space<vmem>>, vector<16xf32>,
    }
    %scan3A_26 = arith.constant 6336 : i32
    %sub3A_27 = arith.constant 1000 : i32
    %sub3A_28 = arith.subi %sub3A_27, %sub3A : i32
    %add3A = arith.addi %sub3A_28, %select_n3A_19 : i32
    %sub3A_29 = arith.constant 1 : i32
    %sub3A_30 = arith.subi %add3A, %sub3A_29 : i32
    %div3A = arith.divsi %sub3A_30, %select_n3A_19 : i32
    %sign3A = arith.constant 0 : i32
    %sign3A_31 = arith.cmpi sgt, %sub3A_30, %sign3A : i32
    %sign3A_32 = arith.extui %sign3A_31 : i1 to i32
    %sign3A_33 = arith.constant 0 : i32
    %sign3A_34 = arith.cmpi slt, %sub3A_30, %sign3A_33 : i32
    %sign3A_35 = arith.extui %sign3A_34 : i1 to i32
    %sign3A_36 = arith.subi %sign3A_32, %sign3A_35 : i32
    %sign3A_37 = arith.constant 0 : i32
    %sign3A_38 = arith.cmpi sgt, %select_n3A_19, %sign3A_37 : i32
    %sign3A_39 = arith.extui %sign3A_38 : i1 to i32
    %sign3A_40 = arith.constant 0 : i32
    %sign3A_41 = arith.cmpi slt, %select_n3A_19, %sign3A_40 : i32
    %sign3A_42 = arith.extui %sign3A_41 : i1 to i32
    %sign3A_43 = arith.subi %sign3A_39, %sign3A_42 : i32
    %ne3A = arith.cmpi ne, %sign3A_36, %sign3A_43 : i32
    %rem3A = arith.remsi %sub3A_30, %select_n3A_19 : i32
    %ne3A_44 = arith.constant 0 : i32
    %ne3A_45 = arith.cmpi ne, %rem3A, %ne3A_44 : i32
    %and3A = arith.andi %ne3A, %ne3A_45 : i1
    %sub3A_46 = arith.constant 1 : i32
    %sub3A_47 = arith.subi %div3A, %sub3A_46 : i32
    %select_n3A_48 = arith.select %and3A, %sub3A_47, %div3A : i32
    %broadcast_in_dim3A_49 = arith.constant 0.000000e+00 : f32
    %broadcast_in_dim3A_50 = vector.broadcast %broadcast_in_dim3A_49 : f32 to vector<16xf32>
    %while3A = arith.constant 0 : i32
    %while3A_51 = arith.subi %select_n3A_48, %while3A : i32
    %while3A_52 = arith.addi %while3A, %while3A_51 : i32
    %while3A_53 = arith.constant 1 : i32
    %while3A_54 = arith.divsi %while3A_51, %while3A_53 : i32
    %while3A_55 = arith.muli %while3A_54, %while3A_53 : i32
    %while3A_56 = arith.addi %while3A, %while3A_55 : i32
    %while3A_57 = arith.constant 1 : i32
    %while3A_58 = scf.for %while3A_65 = %while3A to %while3A_56 step %while3A_57 iter_args(%while3A_66 = %broadcast_in_dim3A_50) -> (vector<16xf32>)  : i32 {
      %mul3A_67 = arith.muli %while3A_65, %select_n3A_19 : i32
      %add3A_68 = arith.addi %sub3A, %mul3A_67 : i32
      %mul3A_69 = arith.constant 3200000 : i32
      %mul3A_70 = arith.muli %arg0, %mul3A_69 : i32
      %mul3A_71 = arith.constant 3200 : i32
      %mul3A_72 = arith.muli %add3A_68, %mul3A_71 : i32
      %add3A_73 = arith.addi %mul3A_70, %mul3A_72 : i32
      %mul3A_74 = arith.constant 3 : i32
      %mul3A_75 = arith.muli %add3A_73, %mul3A_74 : i32
      "tpu.region"() ({
        %run_scoped3A = tpu.sem_alloc : memref<!tpu.dma_semaphore, #tpu.memory_space<semaphore_mem>>
        %dma_start3A = tpu.memref_slice %arg2[%mul3A_75] : memref<19200000xf32, #tpu.memory_space<hbm>> -> memref<9600xf32, #tpu.memory_space<hbm>>
        %dma_start3A_82 = tpu.memref_slice %arg2[%mul3A_75] : memref<19200000xf32, #tpu.memory_space<hbm>> -> memref<9600xf32, #tpu.memory_space<hbm>>
        tpu.enqueue_dma source(%dma_start3A_82 : memref<9600xf32, #tpu.memory_space<hbm>>) target(%arg7 : memref<9600xf32, #tpu.memory_space<vmem>>) target_semaphore(%run_scoped3A : memref<!tpu.dma_semaphore, #tpu.memory_space<semaphore_mem>>)
        %dma_wait3A = tpu.memref_slice %arg2[%mul3A_75] : memref<19200000xf32, #tpu.memory_space<hbm>> -> memref<9600xf32, #tpu.memory_space<hbm>>
        %dma_wait3A_83 = tpu.memref_slice %arg2[%mul3A_75] : memref<19200000xf32, #tpu.memory_space<hbm>> -> memref<9600xf32, #tpu.memory_space<hbm>>
        tpu.wait_dma2 semaphore(%run_scoped3A : memref<!tpu.dma_semaphore, #tpu.memory_space<semaphore_mem>>) src(%dma_wait3A_83 : memref<9600xf32, #tpu.memory_space<hbm>>) dst(%arg7 : memref<9600xf32, #tpu.memory_space<vmem>>)
        tpu.yield
      }) : () -> ()
      "tpu.region"() ({
        %run_scoped3A = tpu.sem_alloc : memref<!tpu.dma_semaphore, #tpu.memory_space<semaphore_mem>>
        %dma_start3A = tpu.memref_slice %arg3[%add3A_73] : memref<6400000xi32, #tpu.memory_space<hbm>> -> memref<3200xi32, #tpu.memory_space<hbm>>
        %dma_start3A_82 = tpu.memref_slice %arg3[%add3A_73] : memref<6400000xi32, #tpu.memory_space<hbm>> -> memref<3200xi32, #tpu.memory_space<hbm>>
        tpu.enqueue_dma source(%dma_start3A_82 : memref<3200xi32, #tpu.memory_space<hbm>>) target(%arg8 : memref<3200xi32, #tpu.memory_space<vmem>>) target_semaphore(%run_scoped3A : memref<!tpu.dma_semaphore, #tpu.memory_space<semaphore_mem>>)
        %dma_wait3A = tpu.memref_slice %arg3[%add3A_73] : memref<6400000xi32, #tpu.memory_space<hbm>> -> memref<3200xi32, #tpu.memory_space<hbm>>
        %dma_wait3A_83 = tpu.memref_slice %arg3[%add3A_73] : memref<6400000xi32, #tpu.memory_space<hbm>> -> memref<3200xi32, #tpu.memory_space<hbm>>
        tpu.wait_dma2 semaphore(%run_scoped3A : memref<!tpu.dma_semaphore, #tpu.memory_space<semaphore_mem>>) src(%dma_wait3A_83 : memref<3200xi32, #tpu.memory_space<hbm>>) dst(%arg8 : memref<3200xi32, #tpu.memory_space<vmem>>)
        tpu.yield
      }) : () -> ()
      %scan3A_76 = arith.constant 0 : i32
      %scan3A_77 = arith.constant 200 : i32
      %scan3A_78 = arith.addi %scan3A_76, %scan3A_77 : i32
      %scan3A_79 = arith.constant 1 : i32
      %scan3A_80 = scf.for %scan3A_82 = %scan3A_76 to %scan3A_78 step %scan3A_79 iter_args(%scan3A_83 = %while3A_66) -> (vector<16xf32>)  : i32 {
        %mul3A_84 = arith.constant 48 : i32
        %mul3A_85 = arith.muli %scan3A_82, %mul3A_84 : i32
        %mul3A_86 = arith.constant 3 : i32
        %mul3A_87 = vector.broadcast %mul3A_86 : i32 to vector<16xi32>
        %mul3A_88 = arith.muli %iota3A, %mul3A_87 : vector<16xi32>
        %add3A_89 = vector.broadcast %mul3A_85 : i32 to vector<16xi32>
        %add3A_90 = arith.addi %add3A_89, %mul3A_88 : vector<16xi32>
        %gather3A = tpu.vector_load_idx %arg7[%add3A_90] : memref<9600xf32, #tpu.memory_space<vmem>>[vector<16xi32>], vector<16xf32>,
        %add3A_91 = arith.constant 1 : i32
        %add3A_92 = vector.broadcast %add3A_91 : i32 to vector<16xi32>
        %add3A_93 = arith.addi %add3A_90, %add3A_92 : vector<16xi32>
        %gather3A_94 = tpu.vector_load_idx %arg7[%add3A_93] : memref<9600xf32, #tpu.memory_space<vmem>>[vector<16xi32>], vector<16xf32>,
        %add3A_95 = arith.constant 2 : i32
        %add3A_96 = vector.broadcast %add3A_95 : i32 to vector<16xi32>
        %add3A_97 = arith.addi %add3A_90, %add3A_96 : vector<16xi32>
        %gather3A_98 = tpu.vector_load_idx %arg7[%add3A_97] : memref<9600xf32, #tpu.memory_space<vmem>>[vector<16xi32>], vector<16xf32>,
        %mul3A_99 = arith.constant 16 : i32
        %mul3A_100 = arith.muli %scan3A_82, %mul3A_99 : i32
        %get3A = arith.index_cast %mul3A_100 : i32 to index
        %get3A_101 = tpu.vector_load %arg8[%get3A] {strides = array<i32>} : memref<3200xi32, #tpu.memory_space<vmem>>, vector<16xi32>,
        %mul3A_102 = arith.mulf %gather3A, %gather3A : vector<16xf32>
        %mul3A_103 = arith.mulf %gather3A_94, %gather3A_94 : vector<16xf32>
        %add3A_104 = arith.addf %mul3A_102, %mul3A_103 : vector<16xf32>
        %mul3A_105 = arith.mulf %gather3A_98, %gather3A_98 : vector<16xf32>
        %add3A_106 = arith.addf %add3A_104, %mul3A_105 : vector<16xf32>
        %div3A_107 = arith.constant 1.000000e+00 : f32
        %div3A_108 = vector.broadcast %div3A_107 : f32 to vector<16xf32>
        %div3A_109 = arith.divf %div3A_108, %add3A_106 : vector<16xf32>
        %mul3A_110 = arith.mulf %div3A_109, %div3A_109 : vector<16xf32>
        %mul3A_111 = arith.mulf %mul3A_110, %div3A_109 : vector<16xf32>
        %mul3A_112 = arith.mulf %mul3A_111, %mul3A_111 : vector<16xf32>
        %mul3A_113 = arith.constant 2.000000e+00 : f32
        %mul3A_114 = vector.broadcast %mul3A_113 : f32 to vector<16xf32>
        %mul3A_115 = arith.mulf %mul3A_114, %mul3A_112 : vector<16xf32>
        %sub3A_116 = arith.subf %mul3A_115, %mul3A_111 : vector<16xf32>
        %mul3A_117 = arith.mulf %sub3A_116, %div3A_109 : vector<16xf32>
        %sub3A_118 = vector.broadcast %mul3A_20 : i32 to vector<16xi32>
        %sub3A_119 = arith.subi %get3A_101, %sub3A_118 : vector<16xi32>
        %ge3A = arith.constant 0 : i32
        %ge3A_120 = vector.broadcast %ge3A : i32 to vector<16xi32>
        %ge3A_121 = arith.cmpi sge, %sub3A_119, %ge3A_120 : vector<16xi32>
        %lt3A_122 = arith.constant 33792 : i32
        %lt3A_123 = vector.broadcast %lt3A_122 : i32 to vector<16xi32>
        %lt3A_124 = arith.cmpi slt, %sub3A_119, %lt3A_123 : vector<16xi32>
        %and3A_125 = arith.andi %ge3A_121, %lt3A_124 : vector<16xi1>
        %mul3A_126 = arith.constant 3 : i32
        %mul3A_127 = vector.broadcast %mul3A_126 : i32 to vector<16xi32>
        %mul3A_128 = arith.muli %sub3A_119, %mul3A_127 : vector<16xi32>
        %jit3A_129 = arith.constant 0 : i32
        %broadcast_in_dim3A_130 = vector.broadcast %jit3A_129 : i32 to vector<16xi32>
        %select_n3A_131 = arith.select %and3A_125, %mul3A_128, %broadcast_in_dim3A_130 : vector<16xi1>, vector<16xi32>
        %mul3A_132 = arith.mulf %mul3A_117, %gather3A : vector<16xf32>
        tpu.vector_store_idx %arg6[%select_n3A_131], %mul3A_132 masked %and3A_125 {add = true} : memref<101376xf32, #tpu.memory_space<vmem>>[vector<16xi32>], vector<16xf32>, vector<16xi1>
        %add3A_133 = arith.constant 1 : i32
        %add3A_134 = vector.broadcast %add3A_133 : i32 to vector<16xi32>
        %add3A_135 = arith.addi %select_n3A_131, %add3A_134 : vector<16xi32>
        %mul3A_136 = arith.mulf %mul3A_117, %gather3A_94 : vector<16xf32>
        tpu.vector_store_idx %arg6[%add3A_135], %mul3A_136 masked %and3A_125 {add = true} : memref<101376xf32, #tpu.memory_space<vmem>>[vector<16xi32>], vector<16xf32>, vector<16xi1>
        %add3A_137 = arith.constant 2 : i32
        %add3A_138 = vector.broadcast %add3A_137 : i32 to vector<16xi32>
        %add3A_139 = arith.addi %select_n3A_131, %add3A_138 : vector<16xi32>
        %mul3A_140 = arith.mulf %mul3A_117, %gather3A_98 : vector<16xf32>
        tpu.vector_store_idx %arg6[%add3A_139], %mul3A_140 masked %and3A_125 {add = true} : memref<101376xf32, #tpu.memory_space<vmem>>[vector<16xi32>], vector<16xf32>, vector<16xi1>
        %sub3A_141 = arith.subf %mul3A_112, %mul3A_111 : vector<16xf32>
        %add3A_142 = arith.addf %scan3A_83, %sub3A_141 : vector<16xf32>
        scf.yield %add3A_142 : vector<16xf32>
      }
      %scan3A_81 = arith.constant 200 : i32
      scf.yield %scan3A_80 : vector<16xf32>
    }
    %while3A_59 = arith.constant 1 : i32
    %while3A_60 = scf.for %while3A_65 = %while3A_56 to %while3A_52 step %while3A_59 iter_args(%while3A_66 = %while3A_58) -> (vector<16xf32>)  : i32 {
      %mul3A_67 = arith.muli %while3A_65, %select_n3A_19 : i32
      %add3A_68 = arith.addi %sub3A, %mul3A_67 : i32
      %mul3A_69 = arith.constant 3200000 : i32
      %mul3A_70 = arith.muli %arg0, %mul3A_69 : i32
      %mul3A_71 = arith.constant 3200 : i32
      %mul3A_72 = arith.muli %add3A_68, %mul3A_71 : i32
      %add3A_73 = arith.addi %mul3A_70, %mul3A_72 : i32
      %mul3A_74 = arith.constant 3 : i32
      %mul3A_75 = arith.muli %add3A_73, %mul3A_74 : i32
      "tpu.region"() ({
        %run_scoped3A = tpu.sem_alloc : memref<!tpu.dma_semaphore, #tpu.memory_space<semaphore_mem>>
        %dma_start3A = tpu.memref_slice %arg2[%mul3A_75] : memref<19200000xf32, #tpu.memory_space<hbm>> -> memref<9600xf32, #tpu.memory_space<hbm>>
        %dma_start3A_82 = tpu.memref_slice %arg2[%mul3A_75] : memref<19200000xf32, #tpu.memory_space<hbm>> -> memref<9600xf32, #tpu.memory_space<hbm>>
        tpu.enqueue_dma source(%dma_start3A_82 : memref<9600xf32, #tpu.memory_space<hbm>>) target(%arg7 : memref<9600xf32, #tpu.memory_space<vmem>>) target_semaphore(%run_scoped3A : memref<!tpu.dma_semaphore, #tpu.memory_space<semaphore_mem>>)
        %dma_wait3A = tpu.memref_slice %arg2[%mul3A_75] : memref<19200000xf32, #tpu.memory_space<hbm>> -> memref<9600xf32, #tpu.memory_space<hbm>>
        %dma_wait3A_83 = tpu.memref_slice %arg2[%mul3A_75] : memref<19200000xf32, #tpu.memory_space<hbm>> -> memref<9600xf32, #tpu.memory_space<hbm>>
        tpu.wait_dma2 semaphore(%run_scoped3A : memref<!tpu.dma_semaphore, #tpu.memory_space<semaphore_mem>>) src(%dma_wait3A_83 : memref<9600xf32, #tpu.memory_space<hbm>>) dst(%arg7 : memref<9600xf32, #tpu.memory_space<vmem>>)
        tpu.yield
      }) : () -> ()
      "tpu.region"() ({
        %run_scoped3A = tpu.sem_alloc : memref<!tpu.dma_semaphore, #tpu.memory_space<semaphore_mem>>
        %dma_start3A = tpu.memref_slice %arg3[%add3A_73] : memref<6400000xi32, #tpu.memory_space<hbm>> -> memref<3200xi32, #tpu.memory_space<hbm>>
        %dma_start3A_82 = tpu.memref_slice %arg3[%add3A_73] : memref<6400000xi32, #tpu.memory_space<hbm>> -> memref<3200xi32, #tpu.memory_space<hbm>>
        tpu.enqueue_dma source(%dma_start3A_82 : memref<3200xi32, #tpu.memory_space<hbm>>) target(%arg8 : memref<3200xi32, #tpu.memory_space<vmem>>) target_semaphore(%run_scoped3A : memref<!tpu.dma_semaphore, #tpu.memory_space<semaphore_mem>>)
        %dma_wait3A = tpu.memref_slice %arg3[%add3A_73] : memref<6400000xi32, #tpu.memory_space<hbm>> -> memref<3200xi32, #tpu.memory_space<hbm>>
        %dma_wait3A_83 = tpu.memref_slice %arg3[%add3A_73] : memref<6400000xi32, #tpu.memory_space<hbm>> -> memref<3200xi32, #tpu.memory_space<hbm>>
        tpu.wait_dma2 semaphore(%run_scoped3A : memref<!tpu.dma_semaphore, #tpu.memory_space<semaphore_mem>>) src(%dma_wait3A_83 : memref<3200xi32, #tpu.memory_space<hbm>>) dst(%arg8 : memref<3200xi32, #tpu.memory_space<vmem>>)
        tpu.yield
      }) : () -> ()
      %scan3A_76 = arith.constant 0 : i32
      %scan3A_77 = arith.constant 200 : i32
      %scan3A_78 = arith.addi %scan3A_76, %scan3A_77 : i32
      %scan3A_79 = arith.constant 1 : i32
      %scan3A_80 = scf.for %scan3A_82 = %scan3A_76 to %scan3A_78 step %scan3A_79 iter_args(%scan3A_83 = %while3A_66) -> (vector<16xf32>)  : i32 {
        %mul3A_84 = arith.constant 48 : i32
        %mul3A_85 = arith.muli %scan3A_82, %mul3A_84 : i32
        %mul3A_86 = arith.constant 3 : i32
        %mul3A_87 = vector.broadcast %mul3A_86 : i32 to vector<16xi32>
        %mul3A_88 = arith.muli %iota3A, %mul3A_87 : vector<16xi32>
        %add3A_89 = vector.broadcast %mul3A_85 : i32 to vector<16xi32>
        %add3A_90 = arith.addi %add3A_89, %mul3A_88 : vector<16xi32>
        %gather3A = tpu.vector_load_idx %arg7[%add3A_90] : memref<9600xf32, #tpu.memory_space<vmem>>[vector<16xi32>], vector<16xf32>,
        %add3A_91 = arith.constant 1 : i32
        %add3A_92 = vector.broadcast %add3A_91 : i32 to vector<16xi32>
        %add3A_93 = arith.addi %add3A_90, %add3A_92 : vector<16xi32>
        %gather3A_94 = tpu.vector_load_idx %arg7[%add3A_93] : memref<9600xf32, #tpu.memory_space<vmem>>[vector<16xi32>], vector<16xf32>,
        %add3A_95 = arith.constant 2 : i32
        %add3A_96 = vector.broadcast %add3A_95 : i32 to vector<16xi32>
        %add3A_97 = arith.addi %add3A_90, %add3A_96 : vector<16xi32>
        %gather3A_98 = tpu.vector_load_idx %arg7[%add3A_97] : memref<9600xf32, #tpu.memory_space<vmem>>[vector<16xi32>], vector<16xf32>,
        %mul3A_99 = arith.constant 16 : i32
        %mul3A_100 = arith.muli %scan3A_82, %mul3A_99 : i32
        %get3A = arith.index_cast %mul3A_100 : i32 to index
        %get3A_101 = tpu.vector_load %arg8[%get3A] {strides = array<i32>} : memref<3200xi32, #tpu.memory_space<vmem>>, vector<16xi32>,
        %mul3A_102 = arith.mulf %gather3A, %gather3A : vector<16xf32>
        %mul3A_103 = arith.mulf %gather3A_94, %gather3A_94 : vector<16xf32>
        %add3A_104 = arith.addf %mul3A_102, %mul3A_103 : vector<16xf32>
        %mul3A_105 = arith.mulf %gather3A_98, %gather3A_98 : vector<16xf32>
        %add3A_106 = arith.addf %add3A_104, %mul3A_105 : vector<16xf32>
        %div3A_107 = arith.constant 1.000000e+00 : f32
        %div3A_108 = vector.broadcast %div3A_107 : f32 to vector<16xf32>
        %div3A_109 = arith.divf %div3A_108, %add3A_106 : vector<16xf32>
        %mul3A_110 = arith.mulf %div3A_109, %div3A_109 : vector<16xf32>
        %mul3A_111 = arith.mulf %mul3A_110, %div3A_109 : vector<16xf32>
        %mul3A_112 = arith.mulf %mul3A_111, %mul3A_111 : vector<16xf32>
        %mul3A_113 = arith.constant 2.000000e+00 : f32
        %mul3A_114 = vector.broadcast %mul3A_113 : f32 to vector<16xf32>
        %mul3A_115 = arith.mulf %mul3A_114, %mul3A_112 : vector<16xf32>
        %sub3A_116 = arith.subf %mul3A_115, %mul3A_111 : vector<16xf32>
        %mul3A_117 = arith.mulf %sub3A_116, %div3A_109 : vector<16xf32>
        %sub3A_118 = vector.broadcast %mul3A_20 : i32 to vector<16xi32>
        %sub3A_119 = arith.subi %get3A_101, %sub3A_118 : vector<16xi32>
        %ge3A = arith.constant 0 : i32
        %ge3A_120 = vector.broadcast %ge3A : i32 to vector<16xi32>
        %ge3A_121 = arith.cmpi sge, %sub3A_119, %ge3A_120 : vector<16xi32>
        %lt3A_122 = arith.constant 33792 : i32
        %lt3A_123 = vector.broadcast %lt3A_122 : i32 to vector<16xi32>
        %lt3A_124 = arith.cmpi slt, %sub3A_119, %lt3A_123 : vector<16xi32>
        %and3A_125 = arith.andi %ge3A_121, %lt3A_124 : vector<16xi1>
        %mul3A_126 = arith.constant 3 : i32
        %mul3A_127 = vector.broadcast %mul3A_126 : i32 to vector<16xi32>
        %mul3A_128 = arith.muli %sub3A_119, %mul3A_127 : vector<16xi32>
        %jit3A_129 = arith.constant 0 : i32
        %broadcast_in_dim3A_130 = vector.broadcast %jit3A_129 : i32 to vector<16xi32>
        %select_n3A_131 = arith.select %and3A_125, %mul3A_128, %broadcast_in_dim3A_130 : vector<16xi1>, vector<16xi32>
        %mul3A_132 = arith.mulf %mul3A_117, %gather3A : vector<16xf32>
        tpu.vector_store_idx %arg6[%select_n3A_131], %mul3A_132 masked %and3A_125 {add = true} : memref<101376xf32, #tpu.memory_space<vmem>>[vector<16xi32>], vector<16xf32>, vector<16xi1>
        %add3A_133 = arith.constant 1 : i32
        %add3A_134 = vector.broadcast %add3A_133 : i32 to vector<16xi32>
        %add3A_135 = arith.addi %select_n3A_131, %add3A_134 : vector<16xi32>
        %mul3A_136 = arith.mulf %mul3A_117, %gather3A_94 : vector<16xf32>
        tpu.vector_store_idx %arg6[%add3A_135], %mul3A_136 masked %and3A_125 {add = true} : memref<101376xf32, #tpu.memory_space<vmem>>[vector<16xi32>], vector<16xf32>, vector<16xi1>
        %add3A_137 = arith.constant 2 : i32
        %add3A_138 = vector.broadcast %add3A_137 : i32 to vector<16xi32>
        %add3A_139 = arith.addi %select_n3A_131, %add3A_138 : vector<16xi32>
        %mul3A_140 = arith.mulf %mul3A_117, %gather3A_98 : vector<16xf32>
        tpu.vector_store_idx %arg6[%add3A_139], %mul3A_140 masked %and3A_125 {add = true} : memref<101376xf32, #tpu.memory_space<vmem>>[vector<16xi32>], vector<16xf32>, vector<16xi1>
        %sub3A_141 = arith.subf %mul3A_112, %mul3A_111 : vector<16xf32>
        %add3A_142 = arith.addf %scan3A_83, %sub3A_141 : vector<16xf32>
        scf.yield %add3A_142 : vector<16xf32>
      }
      %scan3A_81 = arith.constant 200 : i32
      scf.yield %scan3A_80 : vector<16xf32>
    }
    %mul3A_61 = arith.constant 4.000000e+00 : f32
    %mul3A_62 = vector.broadcast %mul3A_61 : f32 to vector<16xf32>
    %mul3A_63 = arith.mulf %while3A_60, %mul3A_62 : vector<16xf32>
    %swap3A = arith.constant 0 : index
    %swap3A_64 = tpu.vector_load %arg9[%swap3A] {strides = array<i32>} : memref<16xf32, #tpu.memory_space<vmem>>, vector<16xf32>,
    tpu.vector_store %arg9[%swap3A], %mul3A_63 {strides = array<i32>} : memref<16xf32, #tpu.memory_space<vmem>>, vector<16xf32>,
    "tpu.region"() ({
      %run_scoped3A = tpu.sem_alloc : memref<!tpu.dma_semaphore, #tpu.memory_space<semaphore_mem>>
      %dma_start3A = arith.constant 0 : i32
      %dma_start3A_65 = tpu.memref_slice %arg4[%arg0, %arg1, %dma_start3A] : memref<2x16x101376xf32, #tpu.memory_space<hbm>> -> memref<1x1x101376xf32, #tpu.memory_space<hbm>>
      %dma_start3A_66 = tpu.memref_squeeze %dma_start3A_65 : memref<1x1x101376xf32, #tpu.memory_space<hbm>> -> memref<101376xf32, #tpu.memory_space<hbm>>
      %dma_start3A_67 = arith.constant 0 : i32
      %dma_start3A_68 = tpu.memref_slice %arg4[%arg0, %arg1, %dma_start3A_67] : memref<2x16x101376xf32, #tpu.memory_space<hbm>> -> memref<1x1x101376xf32, #tpu.memory_space<hbm>>
      %dma_start3A_69 = tpu.memref_squeeze %dma_start3A_68 : memref<1x1x101376xf32, #tpu.memory_space<hbm>> -> memref<101376xf32, #tpu.memory_space<hbm>>
      tpu.enqueue_dma source(%arg6 : memref<101376xf32, #tpu.memory_space<vmem>>) target(%dma_start3A_69 : memref<101376xf32, #tpu.memory_space<hbm>>) target_semaphore(%run_scoped3A : memref<!tpu.dma_semaphore, #tpu.memory_space<semaphore_mem>>)
      %dma_wait3A = arith.constant 0 : i32
      %dma_wait3A_70 = tpu.memref_slice %arg4[%arg0, %arg1, %dma_wait3A] : memref<2x16x101376xf32, #tpu.memory_space<hbm>> -> memref<1x1x101376xf32, #tpu.memory_space<hbm>>
      %dma_wait3A_71 = tpu.memref_squeeze %dma_wait3A_70 : memref<1x1x101376xf32, #tpu.memory_space<hbm>> -> memref<101376xf32, #tpu.memory_space<hbm>>
      %dma_wait3A_72 = arith.constant 0 : i32
      %dma_wait3A_73 = tpu.memref_slice %arg4[%arg0, %arg1, %dma_wait3A_72] : memref<2x16x101376xf32, #tpu.memory_space<hbm>> -> memref<1x1x101376xf32, #tpu.memory_space<hbm>>
      %dma_wait3A_74 = tpu.memref_squeeze %dma_wait3A_73 : memref<1x1x101376xf32, #tpu.memory_space<hbm>> -> memref<101376xf32, #tpu.memory_space<hbm>>
      tpu.wait_dma2 semaphore(%run_scoped3A : memref<!tpu.dma_semaphore, #tpu.memory_space<semaphore_mem>>) src(%arg6 : memref<101376xf32, #tpu.memory_space<vmem>>) dst(%dma_wait3A_74 : memref<101376xf32, #tpu.memory_space<hbm>>)
      tpu.yield
    }) : () -> ()
    "tpu.region"() ({
      %run_scoped3A = tpu.sem_alloc : memref<!tpu.dma_semaphore, #tpu.memory_space<semaphore_mem>>
      %dma_start3A = arith.constant 0 : i32
      %dma_start3A_65 = tpu.memref_slice %arg5[%arg0, %arg1, %dma_start3A] : memref<2x16x16xf32, #tpu.memory_space<hbm>> -> memref<1x1x16xf32, #tpu.memory_space<hbm>>
      %dma_start3A_66 = tpu.memref_squeeze %dma_start3A_65 : memref<1x1x16xf32, #tpu.memory_space<hbm>> -> memref<16xf32, #tpu.memory_space<hbm>>
      %dma_start3A_67 = arith.constant 0 : i32
      %dma_start3A_68 = tpu.memref_slice %arg5[%arg0, %arg1, %dma_start3A_67] : memref<2x16x16xf32, #tpu.memory_space<hbm>> -> memref<1x1x16xf32, #tpu.memory_space<hbm>>
      %dma_start3A_69 = tpu.memref_squeeze %dma_start3A_68 : memref<1x1x16xf32, #tpu.memory_space<hbm>> -> memref<16xf32, #tpu.memory_space<hbm>>
      tpu.enqueue_dma source(%arg9 : memref<16xf32, #tpu.memory_space<vmem>>) target(%dma_start3A_69 : memref<16xf32, #tpu.memory_space<hbm>>) target_semaphore(%run_scoped3A : memref<!tpu.dma_semaphore, #tpu.memory_space<semaphore_mem>>)
      %dma_wait3A = arith.constant 0 : i32
      %dma_wait3A_70 = tpu.memref_slice %arg5[%arg0, %arg1, %dma_wait3A] : memref<2x16x16xf32, #tpu.memory_space<hbm>> -> memref<1x1x16xf32, #tpu.memory_space<hbm>>
      %dma_wait3A_71 = tpu.memref_squeeze %dma_wait3A_70 : memref<1x1x16xf32, #tpu.memory_space<hbm>> -> memref<16xf32, #tpu.memory_space<hbm>>
      %dma_wait3A_72 = arith.constant 0 : i32
      %dma_wait3A_73 = tpu.memref_slice %arg5[%arg0, %arg1, %dma_wait3A_72] : memref<2x16x16xf32, #tpu.memory_space<hbm>> -> memref<1x1x16xf32, #tpu.memory_space<hbm>>
      %dma_wait3A_74 = tpu.memref_squeeze %dma_wait3A_73 : memref<1x1x16xf32, #tpu.memory_space<hbm>> -> memref<16xf32, #tpu.memory_space<hbm>>
      tpu.wait_dma2 semaphore(%run_scoped3A : memref<!tpu.dma_semaphore, #tpu.memory_space<semaphore_mem>>) src(%arg9 : memref<16xf32, #tpu.memory_space<vmem>>) dst(%dma_wait3A_74 : memref<16xf32, #tpu.memory_space<hbm>>)
      tpu.yield
    }) : () -> ()
    return
  }
}

module attributes {stable_mosaic.version = 14 : i64} {
  func.func @_combine_body(%arg0: i32, %arg1: memref<32x512xf32, #tpu.memory_space<vmem>>, %arg2: memref<1x512xf32, #tpu.memory_space<vmem>>, %arg3: memref<3x512xf32, #tpu.memory_space<vmem>>, %arg4: memref<3x512xf32, #tpu.memory_space<vmem>>, %arg5: memref<1x1xf32, #tpu.memory_space<vmem>>) attributes {dimension_semantics = [#tpu.dimension_semantics<arbitrary>], iteration_bounds = array<i64: 198>, scalar_prefetch = 0 : i64, scratch_operands = 0 : i64, tpu.core_type = #tpu.core_type<tc>, window_params = [{transform_indices = @transform_0, window_bounds = array<i64: 32, 512>}, {pipeline_mode = #tpu.pipeline_mode<synchronous>, transform_indices = @transform_1, window_bounds = array<i64: 1, 512>}, {transform_indices = @transform_2, window_bounds = array<i64: 3, 512>}, {transform_indices = @transform_3, window_bounds = array<i64: 3, 512>}, {pipeline_mode = #tpu.pipeline_mode<synchronous>, transform_indices = @transform_4, window_bounds = array<i64: 1, 1>}]} {
    %get3A = arith.constant 0 : index
    %get3A_0 = arith.constant 0 : index
    %get3A_1 = vector.load %arg1[%get3A, %get3A_0] : memref<32x512xf32, #tpu.memory_space<vmem>>, vector<32x512xf32>
    %slice3A = vector.extract_strided_slice %get3A_1 {offsets = [0, 0], sizes = [6, 512], strides = [1, 1]} : vector<32x512xf32> to vector<6x512xf32>
    %reduce_sum3A = arith.constant dense<0.000000e+00> : vector<512xf32>
    %reduce_sum3A_2 = vector.multi_reduction <add>, %slice3A, %reduce_sum3A [0] : vector<6x512xf32> to vector<512xf32>
    %slice3A_3 = vector.extract_strided_slice %get3A_1 {offsets = [16, 0], sizes = [6, 512], strides = [1, 1]} : vector<32x512xf32> to vector<6x512xf32>
    %reduce_sum3A_4 = arith.constant dense<0.000000e+00> : vector<512xf32>
    %reduce_sum3A_5 = vector.multi_reduction <add>, %slice3A_3, %reduce_sum3A_4 [0] : vector<6x512xf32> to vector<512xf32>
    %add3A = arith.addf %reduce_sum3A_2, %reduce_sum3A_5 : vector<512xf32>
    %slice3A_6 = vector.extract_strided_slice %get3A_1 {offsets = [6, 0], sizes = [5, 512], strides = [1, 1]} : vector<32x512xf32> to vector<5x512xf32>
    %reduce_sum3A_7 = arith.constant dense<0.000000e+00> : vector<512xf32>
    %reduce_sum3A_8 = vector.multi_reduction <add>, %slice3A_6, %reduce_sum3A_7 [0] : vector<5x512xf32> to vector<512xf32>
    %slice3A_9 = vector.extract_strided_slice %get3A_1 {offsets = [22, 0], sizes = [5, 512], strides = [1, 1]} : vector<32x512xf32> to vector<5x512xf32>
    %reduce_sum3A_10 = arith.constant dense<0.000000e+00> : vector<512xf32>
    %reduce_sum3A_11 = vector.multi_reduction <add>, %slice3A_9, %reduce_sum3A_10 [0] : vector<5x512xf32> to vector<512xf32>
    %add3A_12 = arith.addf %reduce_sum3A_8, %reduce_sum3A_11 : vector<512xf32>
    %slice3A_13 = vector.extract_strided_slice %get3A_1 {offsets = [11, 0], sizes = [5, 512], strides = [1, 1]} : vector<32x512xf32> to vector<5x512xf32>
    %reduce_sum3A_14 = arith.constant dense<0.000000e+00> : vector<512xf32>
    %reduce_sum3A_15 = vector.multi_reduction <add>, %slice3A_13, %reduce_sum3A_14 [0] : vector<5x512xf32> to vector<512xf32>
    %slice3A_16 = vector.extract_strided_slice %get3A_1 {offsets = [27, 0], sizes = [5, 512], strides = [1, 1]} : vector<32x512xf32> to vector<5x512xf32>
    %reduce_sum3A_17 = arith.constant dense<0.000000e+00> : vector<512xf32>
    %reduce_sum3A_18 = vector.multi_reduction <add>, %slice3A_16, %reduce_sum3A_17 [0] : vector<5x512xf32> to vector<512xf32>
    %add3A_19 = arith.addf %reduce_sum3A_15, %reduce_sum3A_18 : vector<512xf32>
    %stack3A = vector.shape_cast %add3A : vector<512xf32> to vector<1x512xf32>
    %stack3A_20 = vector.shape_cast %add3A_12 : vector<512xf32> to vector<1x512xf32>
    %stack3A_21 = vector.shape_cast %add3A_19 : vector<512xf32> to vector<1x512xf32>
    %stack3A_22 = tpu.concatenate %stack3A, %stack3A_20, %stack3A_21 in 0 : vector<1x512xf32>, vector<1x512xf32>, vector<1x512xf32> -> vector<3x512xf32>
    %mul3A = arith.constant 1.200000e+01 : f32
    %mul3A_23 = vector.broadcast %mul3A : f32 to vector<3x512xf32>
    %mul3A_24 = arith.mulf %stack3A_22, %mul3A_23 : vector<3x512xf32>
    %swap3A = arith.constant 0 : index
    %swap3A_25 = arith.constant 0 : index
    %swap3A_26 = vector.load %arg3[%swap3A, %swap3A_25] : memref<3x512xf32, #tpu.memory_space<vmem>>, vector<3x512xf32>
    tpu.vector_store %arg3[%swap3A, %swap3A_25], %mul3A_24 {strides = array<i32>} : memref<3x512xf32, #tpu.memory_space<vmem>>, vector<3x512xf32>,
    %mul3A_27 = arith.constant -2.000000e+00 : f32
    %mul3A_28 = vector.broadcast %mul3A_27 : f32 to vector<3x512xf32>
    %mul3A_29 = arith.mulf %mul3A_24, %mul3A_28 : vector<3x512xf32>
    %swap3A_30 = arith.constant 0 : index
    %swap3A_31 = arith.constant 0 : index
    %swap3A_32 = vector.load %arg4[%swap3A_30, %swap3A_31] : memref<3x512xf32, #tpu.memory_space<vmem>>, vector<3x512xf32>
    tpu.vector_store %arg4[%swap3A_30, %swap3A_31], %mul3A_29 {strides = array<i32>} : memref<3x512xf32, #tpu.memory_space<vmem>>, vector<3x512xf32>,
    %eq3A = arith.constant 0 : i32
    %eq3A_33 = arith.cmpi eq, %arg0, %eq3A : i32
    %convert_element_type3A = arith.extui %eq3A_33 : i1 to i32
    %cond3A = arith.constant 0 : i32
    %cond3A_34 = arith.cmpi ne, %convert_element_type3A, %cond3A : i32
    scf.if %cond3A_34 {
      %get3A_35 = arith.constant 0 : index
      %get3A_36 = arith.constant 0 : index
      %get3A_37 = vector.load %arg2[%get3A_35, %get3A_36] : memref<1x512xf32, #tpu.memory_space<vmem>>, vector<1x512xf32>
      %reduce_sum3A_38 = vector.shape_cast %get3A_37 : vector<1x512xf32> to vector<1x1x512xf32>
      %reduce_sum3A_39 = arith.constant dense<0.000000e+00> : vector<1xf32>
      %reduce_sum3A_40 = vector.multi_reduction <add>, %reduce_sum3A_38, %reduce_sum3A_39 [1, 2] : vector<1x1x512xf32> to vector<1xf32>
      %reduce_sum3A_41 = vector.shape_cast %reduce_sum3A_40 : vector<1xf32> to vector<1x1x1xf32>
      %reduce_sum3A_42 = vector.extract %reduce_sum3A_41[0, 0, 0] : f32 from vector<1x1x1xf32>
      %mul3A_43 = arith.constant 0.333333343 : f32
      %mul3A_44 = arith.mulf %reduce_sum3A_42, %mul3A_43 : f32
      %sub3A = arith.constant -35068.4297 : f32
      %sub3A_45 = arith.subf %mul3A_44, %sub3A : f32
      %mul3A_46 = arith.constant 5.000000e-01 : f32
      %mul3A_47 = arith.mulf %mul3A_46, %sub3A_45 : f32
      %broadcast_in_dim3A = vector.broadcast %mul3A_47 : f32 to vector<1x1xf32>
      %swap3A_48 = arith.constant 0 : index
      %swap3A_49 = arith.constant 0 : index
      %swap3A_50 = vector.load %arg5[%swap3A_48, %swap3A_49] : memref<1x1xf32, #tpu.memory_space<vmem>>, vector<1x1xf32>
      tpu.vector_store %arg5[%swap3A_48, %swap3A_49], %broadcast_in_dim3A {strides = array<i32>} : memref<1x1xf32, #tpu.memory_space<vmem>>, vector<1x1xf32>,
    } else {
    }
    return
  }
  func.func @transform_0(%arg0: i32) -> (i32, i32) {
    %c0_i32 = arith.constant 0 : i32
    %c0_i32_0 = arith.constant 0 : i32
    return %c0_i32, %arg0 : i32, i32
  }
  func.func @transform_1(%arg0: i32) -> (i32, i32) {
    %c0_i32 = arith.constant 0 : i32
    %c0_i32_0 = arith.constant 0 : i32
    %c0_i32_1 = arith.constant 0 : i32
    return %c0_i32, %c0_i32_0 : i32, i32
  }
  func.func @transform_2(%arg0: i32) -> (i32, i32) {
    %c0_i32 = arith.constant 0 : i32
    %c0_i32_0 = arith.constant 0 : i32
    return %c0_i32, %arg0 : i32, i32
  }
  func.func @transform_3(%arg0: i32) -> (i32, i32) {
    %c0_i32 = arith.constant 0 : i32
    %c0_i32_0 = arith.constant 0 : i32
    return %c0_i32, %arg0 : i32, i32
  }
  func.func @transform_4(%arg0: i32) -> (i32, i32) {
    %c0_i32 = arith.constant 0 : i32
    %c0_i32_0 = arith.constant 0 : i32
    %c0_i32_1 = arith.constant 0 : i32
    return %c0_i32, %c0_i32_0 : i32, i32
  }
}

</mosaic_0001>

<sc_bundles>
// kernel: kernel.4.cloned.1.call-start
scs
__scs_entry_jumppad:
0x0: {  	(pc) =	sbr.rel $0x88, $3  }
0x1: {  	(tag) =	ssettag $0x0;
	lr =	simm.s32 $0x1  }
0x2: {  	[smem:$0x3F9F] =	sst lr;
	_ =	strace $0xD0000000  }
0x3: {  	_ = 	snop  }
0x4: {  	_ = 	snop  }
0x5: {  	_ = 	snop  }
0x6: {  	_ = 	snop  }
0x7: {  	_ = 	snop  }
__scs_overlays_trampoline_lowered:
0x8: {  	[smem:$0x3FAE] =	sst s0  }
0x9: {  	[smem:$0x3FAF] =	sst s1  }
0xa: {  	[smem:$0x3FB0] =	sst s2  }
0xb: {  	[smem:$0x3FB1] =	sst s3  }
0xc: {  	[smem:$0x3FB2] =	sst s4  }
0xd: {  	[smem:$0x3FB3] =	sst s5  }
0xe: {  	[smem:$0x3FB4] =	sst s6  }
0xf: {  	[smem:$0x3FB5] =	sst s7  }
0x10: {  	[smem:$0x3FB6] =	sst s8  }
0x11: {  	[smem:$0x3FB7] =	sst s9;
	s0 =	simm.s32 @!p0 $0x0  }
0x12: {  	s1 =	sld [smem:$0x3F9D];
	s0 =	simm.s32 @p0 $0x1  }
0x13: {  	[smem:$0x3FB8] =	sst s0;
	s0 =	simm.s32 @!p1 $0x0  }
0x14: {  	s2 =	sld [smem:$0x3F9C];
	s0 =	simm.s32 @p1 $0x1  }
0x15: {  	[smem:$0x3FB9] =	sst s0;
	s0 =	simm.s32 @!p2 $0x0  }
0x16: {  	s3 =	sld [smem:$0x3FDB];
	s0 =	simm.s32 @p2 $0x1  }
0x17: {  	s4 =	simm.s32 $0x1BF5;
	[smem:$0x3FBB] =	sst s0  }
0x18: {  	s0 =	sld [smem:$0x3F9E];
	_ =	swait.ge [sflag:s4], $0x0  }
0x19: {  	s7 =	sld [smem:$0x3F9F]  }
0x1a: {  	s8 =	sadd.s32 $0xFFFFE003, lr  }
0x1b: {  	s9 =	sadd.s32 $0xFFFFFEF7, lr;
	s5 =	simm.s32 $0xFFFFFFFF;
	p2 =	slt.u32 s8, $0xFFFFF086  }
0x1c: {  	p1 =	slt.u32 s9, $0xF7A;
	s5 =	simm.s32 @!p2 $0x0  }
0x1d: {  	s5 =	simm.s32 @p1 $0x1;
	p0 =	seq.s32 s7, s2  }
0x1e: {  	s7 =	smul.u32 @!p0 $0xF7A, s2;
	p2 =	seq.s32 @!p0 s5, $0x0  }
0x1f: {  	s9 =	smul.u32 $0xF7A, s1;
	s8 =	simm.s32 @!p0 $0x1BF5;
	p2 =	por !p2, p0  }
0x20: {  	[sflag:s8] =	ssyncset.s32 @!p0 $0xFFFFF086;
	s6 =	sadd.s32 @!p0 s3, s7;
	s7 =	simm.s32 @!p0 $0x108  }
0x21: {  	s3 =	sadd.s32 s3, s9;
	s6 =	sadd.s32 @!p0 $0x88, s6;
	s7 =	simm.s32 @p2 $0x1082  }
0x22: {  	[simem:s7], [sflag:s8] =	dma.local @!p0 [hbm:s6], $0xF7A  }
0x23: {  	s9 =	sor.u32 $0xD0000000, s2;
	s6 =	simm.s32 $0x108;
	_ =	swait.ge @!p0 [sflag:s8], $0x0  }
0x24: {  	s3 =	sadd.s32 $0x88, s3;
	s6 =	simm.s32 @!p1 $0x1082;
	[sflag:s4] =	ssyncset.s32 $0xFFFFF086  }
0x25: {  	[simem:s6], [sflag:s4] =	dma.local [hbm:s3], $0xF7A  }
0x26: {  	[smem:$0x3F9F] =	sst s1;
	(tag) =	ssettag s2;
	_ =	strace s9  }
0x27: {  	s1 =	sld [smem:$0x3FAF]  }
0x28: {  	s2 =	sld [smem:$0x3FB0]  }
0x29: {  	s4 =	sld [smem:$0x3FB2]  }
0x2a: {  	p0 =	seq.s32 s5, $0x0;
	s5 =	sld [smem:$0x3FB3]  }
0x2b: {  	s6 =	sld [smem:$0x3FB4]  }
0x2c: {  	s7 =	sld [smem:$0x3FB5]  }
0x2d: {  	s3 =	simm.s32 $0x108;
	s8 =	sld [smem:$0x3FB6]  }
0x2e: {  	s3 =	simm.s32 @!p0 $0x1082;
	s9 =	sld [smem:$0x3FB7]  }
0x2f: {  	lr =	sadd.s32 s0, s3;
	s0 =	sld [smem:$0x3FAE]  }
0x30: {  	s3 =	sld [smem:$0x3FB1]  }
0x31: {  	[smem:$0x3FBA] =	sst s10  }
0x32: {  	s10 =	sld [smem:$0x3FB8];
	_ =	sdelay $0x3  }
0x33: {  	p0 =	seq.s32 s10, $0x1;
	s10 =	sld [smem:$0x3FBA];
	_ =	sdelay $0x3  }
0x34: {  	[smem:$0x3FBA] =	sst s10  }
0x35: {  	s10 =	sld [smem:$0x3FB9];
	_ =	sdelay $0x3  }
0x36: {  	p1 =	seq.s32 s10, $0x1;
	s10 =	sld [smem:$0x3FBA];
	_ =	sdelay $0x3  }
0x37: {  	[smem:$0x3FBA] =	sst s10  }
0x38: {  	s10 =	sld [smem:$0x3FBB]  }
0x39: {  	_ = 	snop;
	(pc) =	sbr.ind lr, $3  }
0x3a: {  	_ = 	snop  }
0x3b: {  	_ = 	snop  }
0x3c: {  	p2 =	seq.s32 s10, $0x1;
	s10 =	sld [smem:$0x3FBA]  }
0x3d: {  	_ =	shalt  }
0x3e: {  	_ =	shalt  }
0x3f: {  	_ =	shalt  }
0x40: {  	_ =	shalt  }
0x41: {  	_ =	shalt  }
0x42: {  	_ =	shalt  }
0x43: {  	_ =	shalt  }
0x44: {  	_ =	shalt  }
0x45: {  	_ =	shalt  }
0x46: {  	_ =	shalt  }
0x47: {  	_ =	shalt  }
0x48: {  	_ =	shalt  }
0x49: {  	_ =	shalt  }
0x4a: {  	_ =	shalt  }
0x4b: {  	_ =	shalt  }
0x4c: {  	_ =	shalt  }
0x4d: {  	_ =	shalt  }
0x4e: {  	_ =	shalt  }
0x4f: {  	_ =	shalt  }
0x50: {  	_ =	shalt  }
0x51: {  	_ =	shalt  }
0x52: {  	_ =	shalt  }
0x53: {  	_ =	shalt  }
0x54: {  	_ =	shalt  }
0x55: {  	_ =	shalt  }
0x56: {  	_ =	shalt  }
0x57: {  	_ =	shalt  }
0x58: {  	_ =	shalt  }
0x59: {  	_ =	shalt  }
0x5a: {  	_ =	shalt  }
0x5b: {  	_ =	shalt  }
0x5c: {  	_ =	shalt  }
0x5d: {  	_ =	shalt  }
0x5e: {  	_ =	shalt  }
0x5f: {  	_ =	shalt  }
0x60: {  	_ =	shalt  }
0x61: {  	_ =	shalt  }
0x62: {  	_ =	shalt  }
0x63: {  	_ =	shalt  }
0x64: {  	_ =	shalt  }
0x65: {  	_ =	shalt  }
0x66: {  	_ =	shalt  }
0x67: {  	_ =	shalt  }
0x68: {  	_ =	shalt  }
0x69: {  	_ =	shalt  }
0x6a: {  	_ =	shalt  }
0x6b: {  	_ =	shalt  }
0x6c: {  	_ =	shalt  }
0x6d: {  	_ =	shalt  }
0x6e: {  	_ =	shalt  }
0x6f: {  	_ =	shalt  }
0x70: {  	_ =	shalt  }
0x71: {  	_ =	shalt  }
0x72: {  	_ =	shalt  }
0x73: {  	_ =	shalt  }
0x74: {  	_ =	shalt  }
0x75: {  	_ =	shalt  }
0x76: {  	_ =	shalt  }
0x77: {  	_ =	shalt  }
0x78: {  	_ =	shalt  }
0x79: {  	_ =	shalt  }
0x7a: {  	_ =	shalt  }
0x7b: {  	_ =	shalt  }
0x7c: {  	_ =	shalt  }
0x7d: {  	_ =	shalt  }
0x7e: {  	_ =	shalt  }
0x7f: {  	_ =	shalt  }
0x80: {  	_ =	shalt  }
0x81: {  	_ =	shalt  }
0x82: {  	_ =	shalt  }
0x83: {  	_ =	shalt  }
0x84: {  	_ =	shalt  }
0x85: {  	_ =	shalt  }
0x86: {  	_ =	shalt  }
0x87: {  	_ =	shalt  }
.Lfunc_end0:
.L_simem_size_0:
called_computation_lowered:
.L_overlay_start_0:
0x88: {  	s2 =	sld [smem:$0x3FD9]  }
0x89: {  	s3 =	sld [smem:$0x3FFE];
	_ =	sdelay $0x1  }
0x8a: {  	s1 =	srdreg.scid  }
0x8b: {  	s0 =	sand.u32 $0x1, s1  }
0x8c: {  	s14 =	sshll.u32 s0, $0xA;
	s2 =	sadd.s32 s3, s2  }
0x8d: {  	s2 =	sadd.s32 s2, s14  }
0x8e: {  	[smem:$0x3FC6] =	sst s2  }
0x8f: {  	_ = 	snop  }
0x90: {  	s2 =	sld [smem:$0x3FD0];
	_ =	sdelay $0x2  }
0x91: {  	s15 =	simm.s32 $0xA;
	s4 =	simm.s32 $0x10  }
0x92: {  	[smem:s4], [sflag:s15] =	dma.local [hbm:s2], $0x1  }
0x93: {  	_ =	swait.eq [sflag:s15], $0x1  }
0x94: {  	[sflag:s15] =	ssyncset.done $0x0  }
0x95: {  	[sflag:s15] =	ssyncadd.s32 $0xFFFFFFFF  }
0x96: {  	s16 =	sld [smem:$0x12];
	(tm) =	ssettm $0x1  }
0x97: {  	s17 =	sld [smem:$0x3FFB];
	_ =	sdelay $0x3  }
0x98: {  	_ =	strace s17  }
0x99: {  	s3 =	sld [smem:$0x3FFC];
	_ =	sdelay $0x3  }
0x9a: {  	_ =	strace s3  }
0x9b: {  	s3 =	sld [smem:$0x3FFD];
	_ =	sdelay $0x3  }
0x9c: {  	_ =	strace s3  }
0x9d: {  	_ =	strace $0x8FFFFFFF  }
0x9e: {  	s18 =	sld [smem:$0x3FDB];
	_ =	sdelay $0x1  }
0x9f: {  	s19 =	simm.s32 $_scs_section_size  }
0xa0: {  	s5 =	simm.s32 $_size__tile_overlayer_lowered;
	s6 =	simm.s32 $_tile_overlayer_lowered  }
0xa1: {  	s22 =	simm.s32 $0x1BFF;
	s21 =	sshll.u32 s6, $0x1;
	s3 =	sadd.s32 s19, s18  }
0xa2: {  	s7 =	simm.s32 $0x0;
	s20 =	sshll.u32 s5, $0x1;
	s5 =	sadd.s32 s21, s3  }
0xa3: {  	[timem:s7], [sflag:s22] =	dma.local [hbm:s5], s20  }
0xa4: {  	_ =	swait.ge [sflag:s22], s20  }
0xa5: {  	s4 =	ssub.s32 $0x0, s20;
	[sflag:s22] =	ssyncset.done $0x0  }
0xa6: {  	[sflag:s22] =	ssyncadd.s32 s4;
	_ =	sdelay $0x1  }
0xa7: {  	s23 =	simm.s32 $0x1B8B  }
0xa8: {  	_ =	swait.ge [sflag:s23], $0x1  }
0xa9: {  	[sflag:s23] =	ssyncset.done $0x0  }
0xaa: {  	s25 =	simm.s32 $0x1B8E;
	s24 =	sld [smem:$0x3FFE];
	[sflag:s23] =	ssyncadd.s32 $0xFFFFFFFF  }
0xab: {  	s26 =	simm.s32 $execute0_lowered;
	[smem:$0x3FD2] =	sst s25  }
0xac: {  	s5 =	sshll.u32 s26, $0x1;
	_ =	strace $0x80000046;
	[dreg:$0x1] =	wrdreg $0xFFFFFFFF  }
0xad: {  	s28 =	simm.s32 $_size_execute0_lowered;
	s3 =	sadd.s32 s3, s5;
	[dreg:$0x0] =	wrdreg $0x0  }
0xae: {  	s5 =	sshll.u32 s28, $0x1;
	[dreg:$0x2] =	wrdreg s3  }
0xaf: {  	[dreg:$0x3] =	wrdreg s5  }
0xb0: {  	[dreg:$0x4] =	wrdreg $0xC0  }
0xb1: {  	_ =	task [dreg:s7], $0x5FFFF  }
0xb2: {  	[dreg:$0x1] =	wrdreg $0xFFFFFFFF  }
0xb3: {  	[dreg:$0x0] =	wrdreg $0x60  }
0xb4: {  	[dreg:$0x2] =	wrdreg s24  }
0xb5: {  	[dreg:$0x3] =	wrdreg s16  }
0xb6: {  	[dreg:$0x4] =	wrdreg $0x9  }
0xb7: {  	_ =	task.clear_ibuf [dreg:s7], $0x5FFFF;
	_ =	strace $0x90000046  }
0xb8: {  	s29 =	simm.s32 $0x9;
	_ =	strace $0x80000048  }
0xb9: {  	_ =	swait.ge [sflag:s29], $0x1  }
0xba: {  	[sflag:s29] =	ssyncadd.s32 $0xFFFFFFFF  }
0xbb: {  	_ =	strace $0x90000048  }
0xbc: {  	_ =	sfence  }
0xbd: {  	s30 =	sld [smem:$0x0];
	_ =	sdelay $0x2  }
0xbe: {  	s31 =	sshll.u32 s1, $0xD;
	s1 =	sshrl.u32 s1, $0x2  }
0xbf: {  	s3 =	sand.u32 $0x4000, s31;
	s1 =	sadd.s32 s1, s30  }
0xc0: {  	s0 =	sor.u32 s3, s0;
	s1 =	sshll.u32 s1, $0x11  }
0xc1: {  	s0 =	sor.u32 s1, s0  }
0xc2: {  	s0 =	sadd.s32 $0x8F2B, s0  }
0xc3: {  	[sflag:s0] =	ssyncadd.remote.s32 $0x1  }
0xc4: {  	_ =	sfence.sel $0xFFFF  }
0xc5: {  	[dreg:$0x0] =	wrdreg $0xFFFFFFFF;
	(pc) =	sbr.abs _section_cstart, $3  }
0xc6: {  	[dreg:$0x1] =	wrdreg $0xFFFFFFFF  }
0xc7: {  	_ =	task.clear_ibuf [dreg:s7], $0x2FFFF;
	_ =	strace $0x9FFFFFFF  }
0xc8: {  	(tm) =	ssettm $0x7FFFFFFF  }
0xc9: {  	_ =	shalt  }
tec
execute0_lowered:
.L_overlay_start_1:
0x0: {  	(tag) =	ssettag $0x1  }
0x1: {  	s7 =	rddreg [dreg:$0x0]  }
0x2: {  	s0 =	stileid.u32;
	s10 =	rddreg [dreg:$0x1]  }
0x3: {  	s4 =	simm.s32 $0xFFFFFFFA;
	s1 =	rddreg [dreg:$0x2];
	p1 =	slt.u32 s0, $0xB  }
0x4: {  	s2 =	simm.s32 $0x0;
	p0 =	slt.u32 s0, $0x6;
	s4 =	simm.s32 @!p1 $0xFFFFFFF5  }
0x5: {  	s3 =	simm.s32 $0x6;
	s5 =	srdreg.scid;
	s4 =	simm.s32 @p0 $0x0  }
0x6: {  	s15 =	simm.s32 $0xFFFF7C00;
	s3 =	simm.s32 @!p0 $0x5;
	s4 =	sadd.s32 s0, s4  }
0x7: {  	s16 =	simm.s32 $0x1BE00;
	s17 =	simm.s32 $0x0;
	s26 =	ssub.s32 s3, s4  }
0x8: {  	[smem:$0x7FF] =	sst s2;
	s8 =	sand.u32 $0x1, s5;
	s5 =	sadd.s32 $0x3E7, s26  }
0x9: {  	s6 =	smul.u32 $0x18C000, s8;
	_ =	strace $0x80000047;
	s5 =	sand.u32 $0xFFFF, s5  }
0xa: {  	s9 =	sshrl.u32 s0, $0x3;
	s28 =	sshll.u32 s0, $0x7;
	(drf) =	sdiv.u32 s5, s3  }
0xb: {  	s11 =	smul.u32 $0xC6000, s9;
	s29 =	sand.u32 $0x380, s28;
	s30 =	ssub.s32 $0x2, s8  }
0xc: {  	s13 =	sshll.u32 s8, $0xB;
	s9 =	sshll.u32 s9, $0xA;
	s15 =	simm.s32 @!p1 $0xFFFEF800  }
0xd: {  	s8 =	smul.u32 $0x30D400, s8;
	s14 =	sshrl.u32 s30, $0x1;
	s9 =	sor.u32 s13, s9  }
0xe: {  	s15 =	simm.s32 @p0 $0x0;
	s13 =	simm.s32 $0x1;
	s6 =	sadd.s32 s6, s11  }
0xf: {  	s31 =	ssub.s32 s30, s14;
	s9 =	sor.u32 s29, s9;
	s14 =	simm.s32 $0x80  }
0x10: {  	v0 =	vlaneseq.u32;
	v1 =	vmov s15;
	s15 =	simm.s32 $0x400;
	s6 =	sor.u32 s29, s6;
	s11 =	sshrl.u32 s9, $0x3  }
0x11: {  	v0 =	vmul.u32 $0x3, v0;
	s12 =	sshrl.u32 s6, $0x3;
	s6 =	sadd.s32 $0xC00, s7;
	s10 =	sadd.s32 s10, s11  }
0x12: {  	s11 =	smax.u32 s31, $0x1;
	s12 =	sadd.s32 s12, s7;
	s5 =	sadd.s32 $0x61A8C00, s7  }
0x13: {  	v2 =	vadd.s32 $0x1, v0;
	v3 =	vadd.s32 $0x2, v0;
	s9 =	sadd.s32 $0xC4200, s12;
	s12 =	simm.s32 $0x18C00;
	s7 =	spop (drf)  }
.LBB2_1:
0x14: {  	s18 =	simm.s32 $0x40;
	s19 =	simm.s32 $0x0;
	v4 =	vimm.f32 $0.0e+00  }
.LBB2_2:
0x15: {  	p0 =	sne.s32 s18, $0x62FC0;
	[tilespmem:s19+$0x0] =	vst v4;
	s19 =	smov.u32 s18;
	s18 =	sadd.s32 $0x40, s18  }
.Ltmp0:
0x16: {  	(pc) =	sbr.rel @p0 .LBB2_2-.Ltmp0, $2  }
0x17: {  	_ =	sdelay $0x2  }
0x18: {  	s19 =	sshra.s32 s19, $0x2  }
0x19: {  	[tilespmem:s19+$0x0] =	vst v4;
	s18 =	simm.s32 $0x0;
	s19 =	simm.s32 $0x0  }
.LBB2_4:
0x1a: {  	s20 =	smul.u32 s3, s19;
	_ =	sdelay $0x1  }
0x1b: {  	s20 =	sadd.s32 s4, s20  }
0x1c: {  	s20 =	smul.u32 $0xC80, s20;
	_ =	sdelay $0x1  }
0x1d: {  	s20 =	sadd.s32 s8, s20  }
0x1e: {  	s21 =	smul.u32 $0x3, s20;
	_ =	sdelay $0x1  }
0x1f: {  	s21 =	sshrl.u32 s21, $0x3  }
0x20: {  	s21 =	sadd.s32 s5, s21  }
0x21: {  	[tilespmem:s12], [sflag:$0x1] =	stream.linear.gather [hbm4b:s21+s18], $0x2580, $0x38;
	[tilespmem:$0x1BE80] =	vst v63  }
0x22: {  	_ =	swait.ge [sflag:s13], $0x2580  }
0x23: {  	s20 =	sshrl.u32 s20, $0x3;
	[sflag:s13] =	ssyncset.done $0x0  }
0x24: {  	v5 =	vadd.s32 s18, v0;
	s31 =	sadd.s32 s6, s20;
	s20 =	simm.s32 $0x1B180;
	[sflag:s13] =	ssyncadd.s32 $0xFFFFDA80  }
0x25: {  	v6 =	vadd.s32 s18, v2;
	[tilespmem:s20], [sflag:$0x1] =	stream.linear.gather [hbm4b:s31+s18], $0xC80, $0x38;
	[tilespmem:$0x1BE80] =	vst v63  }
0x26: {  	_ =	swait.ge [sflag:s13], $0xC80  }
0x27: {  	v7 =	vadd.s32 s18, v3;
	[sflag:s13] =	ssyncset.done $0x0  }
0x28: {  	[sflag:s13] =	ssyncadd.s32 $0xFFFFF380  }
0x29: {  	v5 =	vld.idx.msk [tilespmem:v5+s12+$0x0], $0xffff  }
0x2a: {  	v6 =	vld.idx.msk [tilespmem:v6+s12+$0x0], $0xffff;
	_ =	sdelay $0x1  }
0x2b: {  	v8 =	vld.idx.msk [tilespmem:v7+s12+$0x0], $0xffff;
	_ =	sdelay $0x2  }
0x2c: {  	v7 =	vmul.f32 v5, v5;
	v9 =	vmul.f32 v6, v6;
	_ =	sdelay $0x1  }
0x2d: {  	v7 =	vadd.f32 v9, v7;
	v9 =	vmul.f32 v8, v8;
	_ =	sdelay $0x1  }
0x2e: {  	v7 =	vadd.f32 v9, v7;
	_ =	sdelay $0x1  }
0x2f: {  	(erf) = vrcp.f32 v7;
	_ =	sdelay $0x8  }
0x30: {  	v7 =	vpop (erf)  }
0x31: {  	v9 =	vmul.f32 v7, v7  }
0x32: {  	v10 =	vld [tilespmem:s20+$0x0]  }
0x33: {  	v9 =	vmul.f32 v9, v7;
	_ =	sdelay $0x1  }
0x34: {  	v11 =	vmul.f32 v9, v9;
	_ =	sdelay $0x1  }
0x35: {  	v10 =	vadd.s32 v1, v10;
	v12 =	vadd.f32 v11, v11  }
0x36: {  	v13 =	vmul.u32 $0x3, v10  }
0x37: {  	vm0 =	vlt.u32 v10, $0x8400;
	v12 =	vsub.f32 v12, v9  }
0x38: {  	v10 =	vnsel vm0, $0x0, v13  }
0x39: {  	v13 =	vadd.s32 $0x1, v10;
	v12 =	vmul.f32 v12, v7  }
0x3a: {  	v7 =	vsub.f32 v11, v9  }
0x3b: {  	s22 =	simm.s32 $0x30;
	v9 =	vmul.f32 v12, v5;
	v11 =	vmul.f32 v12, v6;
	v6 =	vadd.s32 $0x2, v10  }
0x3c: {  	v5 =	vadd.s32 s22, v0  }
0x3d: {  	v4 =	vadd.f32 v7, v4;
	v7 =	vadd.s32 s22, v2;
	[tilespmem:v10+s2+$0x0] =	vst.idx.add.f32.msk vm0, v9  }
0x3e: {  	s21 =	simm.s32 $0x60;
	v9 =	vmul.f32 v12, v8;
	v8 =	vadd.s32 s22, v3;
	[tilespmem:v13+s2+$0x0] =	vst.idx.add.f32.msk vm0, v11  }
.LBB2_5:
0x3f: {  	p0 =	sne.s32 s21, $0x2550  }
0x40: {  	[tilespmem:v6+s2+$0x0] =	vst.idx.add.f32.msk vm0, v9;
	s20 =	sadd.s32 $0x10, s20;
	s22 =	smov.u32 s21;
	s21 =	sadd.s32 $0x30, s21  }
0x41: {  	v9 =	vld.idx.msk [tilespmem:v5+s12+$0x0], $0xffff  }
0x42: {  	v7 =	vld.idx.msk [tilespmem:v7+s12+$0x0], $0xffff;
	_ =	sdelay $0x1  }
0x43: {  	v8 =	vld.idx.msk [tilespmem:v8+s12+$0x0], $0xffff;
	_ =	sdelay $0x3  }
0x44: {  	v5 =	vmul.f32 v9, v9;
	v6 =	vmul.f32 v7, v7;
	_ =	sdelay $0x1  }
0x45: {  	v5 =	vadd.f32 v6, v5;
	v6 =	vmul.f32 v8, v8;
	_ =	sdelay $0x1  }
0x46: {  	v5 =	vadd.f32 v6, v5;
	_ =	sdelay $0x1  }
0x47: {  	(erf) = vrcp.f32 v5;
	_ =	sdelay $0x8  }
0x48: {  	v5 =	vpop (erf)  }
0x49: {  	v6 =	vmul.f32 v5, v5  }
0x4a: {  	v10 =	vld [tilespmem:s20+$0x0]  }
0x4b: {  	v6 =	vmul.f32 v6, v5;
	_ =	sdelay $0x1  }
0x4c: {  	v11 =	vmul.f32 v6, v6;
	_ =	sdelay $0x1  }
0x4d: {  	v12 =	vadd.f32 v11, v11;
	v10 =	vadd.s32 v1, v10;
	v11 =	vsub.f32 v11, v6  }
0x4e: {  	v13 =	vmul.u32 $0x3, v10  }
0x4f: {  	vm0 =	vlt.u32 v10, $0x8400;
	v6 =	vsub.f32 v12, v6;
	v4 =	vadd.f32 v11, v4  }
0x50: {  	v10 =	vnsel vm0, $0x0, v13  }
0x51: {  	v11 =	vmul.f32 v6, v5;
	v12 =	vadd.s32 $0x1, v10  }
.Ltmp1:
0x52: {  	v6 =	vadd.s32 $0x2, v10;
	(pc) =	sbr.rel @p0 .LBB2_5-.Ltmp1, $4  }
0x53: {  	v5 =	vadd.s32 s22, v0;
	v9 =	vmul.f32 v11, v9;
	v13 =	vmul.f32 v11, v7  }
0x54: {  	v7 =	vadd.s32 s22, v2  }
0x55: {  	[tilespmem:v10+s2+$0x0] =	vst.idx.add.f32.msk vm0, v9;
	v9 =	vmul.f32 v11, v8  }
0x56: {  	v8 =	vadd.s32 s22, v3;
	[tilespmem:v12+s2+$0x0] =	vst.idx.add.f32.msk vm0, v13  }
0x57: {  	_ =	sdelay $0x4  }
0x58: {  	[tilespmem:v6+s2+$0x0] =	vst.idx.add.f32.msk vm0, v9  }
0x59: {  	v5 =	vld.idx.msk [tilespmem:v5+s12+$0x0], $0xffff  }
0x5a: {  	v6 =	vld.idx.msk [tilespmem:v7+s12+$0x0], $0xffff;
	_ =	sdelay $0x1  }
0x5b: {  	v7 =	vld.idx.msk [tilespmem:v8+s12+$0x0], $0xffff;
	_ =	sdelay $0x2  }
0x5c: {  	v59 =	vmul.f32 v5, v5;
	v60 =	vmul.f32 v6, v6;
	_ =	sdelay $0x1  }
0x5d: {  	v61 =	vmul.f32 v7, v7;
	v8 =	vadd.f32 v60, v59;
	_ =	sdelay $0x1  }
0x5e: {  	v8 =	vadd.f32 v61, v8;
	_ =	sdelay $0x1  }
0x5f: {  	(erf) = vrcp.f32 v8;
	_ =	sdelay $0x8  }
0x60: {  	v8 =	vpop (erf)  }
0x61: {  	s20 =	sadd.s32 $0x10, s20;
	v62 =	vmul.f32 v8, v8  }
0x62: {  	v10 =	vld [tilespmem:s20+$0x0]  }
0x63: {  	v9 =	vmul.f32 v62, v8;
	_ =	sdelay $0x1  }
0x64: {  	v11 =	vmul.f32 v9, v9;
	_ =	sdelay $0x1  }
0x65: {  	v10 =	vadd.s32 v1, v10;
	v12 =	vadd.f32 v11, v11  }
0x66: {  	v13 =	vmul.u32 $0x3, v10  }
0x67: {  	vm15 =	vlt.u32 v10, $0x8400;
	v12 =	vsub.f32 v12, v9  }
0x68: {  	v10 =	vnsel vm15, $0x0, v13  }
0x69: {  	s19 =	sadd.s32 $0x1, s19;
	v63 =	vadd.s32 $0x1, v10;
	v8 =	vmul.f32 v12, v8  }
0x6a: {  	p0 =	sne.s32 s19, s7;
	v13 =	vadd.s32 $0x2, v10  }
.Ltmp2:
0x6b: {  	v5 =	vmul.f32 v8, v5;
	(pc) =	sbr.rel @p0 .LBB2_4-.Ltmp2, $4  }
0x6c: {  	v6 =	vmul.f32 v8, v6  }
0x6d: {  	v9 =	vsub.f32 v11, v9;
	[tilespmem:v10+s2+$0x0] =	vst.idx.add.f32.msk vm15, v5;
	v5 =	vmul.f32 v8, v7  }
0x6e: {  	[tilespmem:v63+s2+$0x0] =	vst.idx.add.f32.msk vm15, v6  }
0x6f: {  	v4 =	vadd.f32 v9, v4;
	[tilespmem:v13+s2+$0x0] =	vst.idx.add.f32.msk vm15, v5  }
0x70: {  	_ = 	snop  }
0x71: {  	v4 =	vmul.f32 $4.000000000e+00, v4;
	_ =	sdelay $0x1  }
0x72: {  	[tilespmem:$0x1BE00] =	vst v4  }
0x73: {  	[hbm4b:s9+s14] =	stream.strided.scatter [tilespmem:s2], [sflag:$0x1], $0x18C00, s15, s14, $0x38;
	[tilespmem:$0x1BE80] =	vst v63  }
0x74: {  	s17 =	sadd.s32 $0x1, s17;
	_ =	swait.ge [sflag:s13], $0x18C00  }
0x75: {  	p0 =	sne.s32 s17, s11;
	[sflag:s13] =	ssyncset.done $0x0  }
.Ltmp3:
0x76: {  	[sflag:s13] =	ssyncadd.s32 $0xFFFE7400;
	(pc) =	sbr.rel @p0 .LBB2_1-.Ltmp3, $4  }
0x77: {  	[hbm4b:s10+s2] =	stream.linear.scatter [tilespmem:s16], [sflag:$0x1], $0x80, $0x38;
	[tilespmem:$0x1BE80] =	vst v63  }
0x78: {  	_ =	swait.ge [sflag:s13], $0x80  }
0x79: {  	[sflag:s13] =	ssyncset.done $0x0  }
0x7a: {  	[sflag:s13] =	ssyncadd.s32 $0xFFFFFF80  }
0x7b: {  	_ =	sfence.sel $0x180000  }
0x7c: {  	[bflag:$0x0] =	sbarrier.arrive $0xFFFF  }
0x7d: {  	p0 =	sne.s32 s0, $0x0;
	_ =	strace $0x90000047  }
0x7e: {  	s0 =	sadd.s32 @!p0 $0x100000, s1;
	[bflag:$0x2] =	sbarrier.arrive $0xFFFF  }
0x7f: {  	[sflag:s0] =	ssyncadd.tile.s32 @!p0 $0x1;
	_ =	shalt  }
.Lfunc_end2:
_tile_overlayer_lowered:
.L_overlay_start_2:
0x80: {  	(tag) =	ssettag $0x2  }
0x81: {  	s0 =	rddreg [dreg:$0x0];
	s2 =	stileid.u32  }
0x82: {  	s1 =	rddreg [dreg:$0x1];
	p0 =	sne.s32 s2, $0x0  }
0x83: {  	s3 =	rddreg [dreg:$0x2];
	[bflag:$0x3] =	sbarrier.arrive $0xFFFF;
	s2 =	simm.s32 @!p0 $0x1C01  }
0x84: {  	[timem:s3], [sflag:s2] =	dma.local @!p0 [hbm:s0], s1  }
0x85: {  	s0 =	simm.s32 @!p0 $0x1  }
0x86: {  	_ =	swait.ge @!p0 [sflag:s0], s1  }
0x87: {  	s1 =	ssub.s32 @!p0 $0x0, s1;
	[sflag:s0] =	ssyncset.done @!p0 $0x0  }
0x88: {  	[sflag:s0] =	ssyncadd.s32 @!p0 s1  }
0x89: {  	[bflag:$0x3] =	sbarrier.arrive $0xFFFF  }
0x8a: {  	_ =	shalt  }

</sc_bundles>
